<compile_context>
chip_gen: v7x
topology: tpu7x:2x2x1
jax: 0.10.2.dev20260603
libtpu: 0.0.44.dev20260713+nightly
codegen_flags: <defaults>
</compile_context>

<pallas_src>
import functools

import jax
import jax.numpy as jnp
from jax import lax
from jax.experimental import pallas as pl
from jax.experimental.pallas import tpu as pltpu
from jax.experimental.pallas import tpu_sc as plsc


def _sc_gather_sum(inputs, table128, D):
    C, B = inputs.shape
    DP = table128.shape[1]
    info = plsc.get_sparse_core_info()
    nw = info.num_cores * info.num_subcores
    b_per_w = B // nw
    mesh = plsc.VectorSubcoreMesh(core_axis_name="c", subcore_axis_name="s")

    @functools.partial(
        pl.kernel,
        mesh=mesh,
        compiler_params=pltpu.CompilerParams(use_tc_tiling_on_sc=False),
        out_type=jax.ShapeDtypeStruct((B, D), jnp.float32),
        scratch_types=[
            pltpu.VMEM((C * b_per_w,), jnp.int32),
            pltpu.VMEM((C * b_per_w, DP), jnp.float32),
            pltpu.VMEM((b_per_w, D), jnp.float32),
            pltpu.SemaphoreType.DMA,
        ],
    )
    def k(idx_hbm, table_hbm, out_hbm, idx_v, rows_v, acc_v, sem):
        cid = lax.axis_index("c")
        sid = lax.axis_index("s")
        wid = sid * info.num_cores + cid
        base = wid * b_per_w
        for c in range(C):
            pltpu.sync_copy(
                idx_hbm.at[c, pl.ds(base, b_per_w)],
                idx_v.at[pl.ds(c * b_per_w, b_per_w)],
            )
        pltpu.async_copy(table_hbm.at[idx_v], rows_v, sem).wait()

        def body(i, carry):
            for j in range(D // 16):
                v = rows_v[i, pl.ds(j * 16, 16)]
                for c in range(1, C):
                    v = v + rows_v[i + c * b_per_w, pl.ds(j * 16, 16)]
                acc_v[i, pl.ds(j * 16, 16)] = v
            return carry

        lax.fori_loop(0, b_per_w, body, 0)
        pltpu.sync_copy(acc_v, out_hbm.at[pl.ds(base, b_per_w)])

    return k(inputs, table128)


def _tc_transpose_pad(emb_t, DP):
    K, V = emb_t.shape
    TV = 2048
    grid = (V + TV - 1) // TV
    eye = jnp.eye(K, dtype=jnp.float32)

    def tp(w_ref, eye_ref, out_ref):
        t = lax.dot_general(
            w_ref[...],
            eye_ref[...],
            (((0,), (0,)), ((), ())),
            preferred_element_type=jnp.float32,
        )
        out_ref[...] = jnp.concatenate(
            [t, jnp.zeros((t.shape[0], DP - K), jnp.float32)], axis=1)

    return pl.pallas_call(
        tp,
        grid=(grid,),
        in_specs=[
            pl.BlockSpec((K, TV), lambda i: (0, i)),
            pl.BlockSpec((K, K), lambda i: (0, 0)),
        ],
        out_specs=pl.BlockSpec((TV, DP), lambda i: (i, 0)),
        out_shape=jax.ShapeDtypeStruct((V, DP), jnp.float32),
    )(emb_t, eye)


def _tc_matmul_t(emb_aug, wt, b2):
    B, K1 = emb_aug.shape
    V = wt.shape[1]
    K = wt.shape[0]
    TV = 2048
    grid = (V + TV - 1) // TV

    def mm(w_ref, b_ref, emb_ref, out_ref):
        w65 = jnp.concatenate([w_ref[...], b_ref[...]], axis=0)
        out_ref[...] = lax.dot_general(
            w65,
            emb_ref[...],
            (((0,), (1,)), ((), ())),
            preferred_element_type=jnp.float32,
        )

    return pl.pallas_call(
        mm,
        grid=(grid,),
        in_specs=[
            pl.BlockSpec((K, TV), lambda i: (0, i)),
            pl.BlockSpec((1, TV), lambda i: (0, i)),
            pl.BlockSpec((B, K1), lambda i: (0, 0)),
        ],
        out_specs=pl.BlockSpec((TV, B), lambda i: (i, 0)),
        out_shape=jax.ShapeDtypeStruct((V, B), jnp.float32),
    )(wt, b2, emb_aug)


def kernel(inputs, emb_table, W, b):
    D = emb_table.shape[1]
    table128 = _tc_transpose_pad(emb_table.T, 128)
    embeds = _sc_gather_sum(inputs.astype(jnp.int32), table128, D)
    emb_aug = jnp.concatenate(
        [embeds, jnp.ones((embeds.shape[0], 1), jnp.float32)], axis=1)
    out_t = _tc_matmul_t(emb_aug, W.T, b.reshape(1, -1))
    return out_t.T

# --- scband reference (transcript-rebuilt; emitter-appended) ---
"""Pipeline reference for scband-cbow-2499670966741 (READ-ONLY COPY).

The authoritative reference and input builder live on the scoring server;
editing this copy changes nothing except your own understanding.
"""

import jax, jax.numpy as jnp
import numpy as np

VOCAB = 100000
EMBED = 64
CTX = 4  # 2 * context_size
BATCH = 1024


def setup_inputs(seed: int = 0) -> dict:
    key = jax.random.key(seed)
    k0, k1, k2, k3 = jax.random.split(key, 4)
    inputs = jax.random.randint(k0, (CTX, BATCH), 0, VOCAB, dtype=jnp.int64 if jax.config.jax_enable_x64 else jnp.int32)
    emb_table = jax.random.normal(k1, (VOCAB, EMBED), dtype=jnp.float32) * 0.02
    W = jax.random.normal(k2, (VOCAB, EMBED), dtype=jnp.float32) * 0.02  # torch Linear weight [out, in]
    b = jax.random.normal(k3, (VOCAB,), dtype=jnp.float32) * 0.02
    return {"inputs": inputs, "emb_table": emb_table, "W": W, "b": b}


def reference(inputs, emb_table, W, b):
    # lookup_embeds = self.embeddings(inputs)  -> [CTX, BATCH, EMBED]
    lookup_embeds = jnp.take(emb_table, inputs, axis=0)
    # embeds = lookup_embeds.sum(dim=0)        -> [BATCH, EMBED]
    embeds = lookup_embeds.sum(axis=0)
    # out = self.linear1(embeds)               -> [BATCH, VOCAB]
    out = embeds @ W.T + b
    return out

if __name__ == "__main__":
    import jax
    _d = setup_inputs()
    print(jax.jit(kernel)(*tuple(_d.values())))

</pallas_src>

<mosaic_0001>
#map = affine_map<(d0, d1) -> (0, 0)>
module attributes {stable_mosaic.version = 14 : i64} {
  func.func @k(%arg0: i32, %arg1: i32, %arg2: memref<4x1024xi32, #tpu.memory_space<hbm>>, %arg3: memref<100000x128xf32, #tpu.memory_space<hbm>>, %arg4: memref<1024x64xf32, #tpu.memory_space<hbm>>, %arg5: memref<128xi32, #tpu.memory_space<vmem>>, %arg6: memref<128x128xf32, #tpu.memory_space<vmem>>, %arg7: memref<32x64xf32, #tpu.memory_space<vmem>>, %arg8: memref<!tpu.dma_semaphore, #tpu.memory_space<semaphore_mem>>) attributes {dimension_semantics = [#tpu.dimension_semantics<core_parallel>, #tpu.dimension_semantics<subcore_parallel>], iteration_bounds = array<i64: 2, 16>, scalar_prefetch = 0 : i64, scratch_operands = 4 : i64, tpu.core_type = #tpu.core_type<sc_vector_subcore>, window_params = [{transform_indices = #map}, {transform_indices = #map}, {transform_indices = #map}]} {
    %mul3A = arith.constant 2 : i32
    %mul3A_0 = arith.muli %arg1, %mul3A : i32
    %add3A = arith.addi %mul3A_0, %arg0 : i32
    %mul3A_1 = arith.constant 32 : i32
    %mul3A_2 = arith.muli %add3A, %mul3A_1 : i32
    %run_scoped3A = arith.constant 0 : i32
    "tpu.region"() ({
      %run_scoped3A_15 = tpu.sem_alloc : memref<!tpu.dma_semaphore, #tpu.memory_space<semaphore_mem>>
      %dma_start3A_16 = arith.constant 0 : i32
      %dma_start3A_17 = tpu.memref_slice %arg5[%dma_start3A_16] : memref<128xi32, #tpu.memory_space<vmem>> -> memref<32xi32, #tpu.memory_space<vmem>>
      %dma_start3A_18 = tpu.memref_slice %arg2[%run_scoped3A, %mul3A_2] : memref<4x1024xi32, #tpu.memory_space<hbm>> -> memref<1x32xi32, #tpu.memory_space<hbm>>
      %dma_start3A_19 = tpu.memref_squeeze %dma_start3A_18 : memref<1x32xi32, #tpu.memory_space<hbm>> -> memref<32xi32, #tpu.memory_space<hbm>>
      %dma_start3A_20 = arith.constant 0 : i32
      %dma_start3A_21 = tpu.memref_slice %arg5[%dma_start3A_20] : memref<128xi32, #tpu.memory_space<vmem>> -> memref<32xi32, #tpu.memory_space<vmem>>
      %dma_start3A_22 = tpu.memref_slice %arg2[%run_scoped3A, %mul3A_2] : memref<4x1024xi32, #tpu.memory_space<hbm>> -> memref<1x32xi32, #tpu.memory_space<hbm>>
      %dma_start3A_23 = tpu.memref_squeeze %dma_start3A_22 : memref<1x32xi32, #tpu.memory_space<hbm>> -> memref<32xi32, #tpu.memory_space<hbm>>
      tpu.enqueue_dma source(%dma_start3A_23 : memref<32xi32, #tpu.memory_space<hbm>>) target(%dma_start3A_21 : memref<32xi32, #tpu.memory_space<vmem>>) target_semaphore(%run_scoped3A_15 : memref<!tpu.dma_semaphore, #tpu.memory_space<semaphore_mem>>)
      %dma_wait3A_24 = arith.constant 0 : i32
      %dma_wait3A_25 = tpu.memref_slice %arg5[%dma_wait3A_24] : memref<128xi32, #tpu.memory_space<vmem>> -> memref<32xi32, #tpu.memory_space<vmem>>
      %dma_wait3A_26 = tpu.memref_slice %arg2[%run_scoped3A, %mul3A_2] : memref<4x1024xi32, #tpu.memory_space<hbm>> -> memref<1x32xi32, #tpu.memory_space<hbm>>
      %dma_wait3A_27 = tpu.memref_squeeze %dma_wait3A_26 : memref<1x32xi32, #tpu.memory_space<hbm>> -> memref<32xi32, #tpu.memory_space<hbm>>
      %dma_wait3A_28 = arith.constant 0 : i32
      %dma_wait3A_29 = tpu.memref_slice %arg5[%dma_wait3A_28] : memref<128xi32, #tpu.memory_space<vmem>> -> memref<32xi32, #tpu.memory_space<vmem>>
      %dma_wait3A_30 = tpu.memref_slice %arg2[%run_scoped3A, %mul3A_2] : memref<4x1024xi32, #tpu.memory_space<hbm>> -> memref<1x32xi32, #tpu.memory_space<hbm>>
      %dma_wait3A_31 = tpu.memref_squeeze %dma_wait3A_30 : memref<1x32xi32, #tpu.memory_space<hbm>> -> memref<32xi32, #tpu.memory_space<hbm>>
      tpu.wait_dma2 semaphore(%run_scoped3A_15 : memref<!tpu.dma_semaphore, #tpu.memory_space<semaphore_mem>>) src(%dma_wait3A_31 : memref<32xi32, #tpu.memory_space<hbm>>) dst(%dma_wait3A_29 : memref<32xi32, #tpu.memory_space<vmem>>)
      tpu.yield
    }) : () -> ()
    %run_scoped3A_3 = arith.constant 1 : i32
    "tpu.region"() ({
      %run_scoped3A_15 = tpu.sem_alloc : memref<!tpu.dma_semaphore, #tpu.memory_space<semaphore_mem>>
      %dma_start3A_16 = arith.constant 32 : i32
      %dma_start3A_17 = tpu.memref_slice %arg5[%dma_start3A_16] : memref<128xi32, #tpu.memory_space<vmem>> -> memref<32xi32, #tpu.memory_space<vmem>>
      %dma_start3A_18 = tpu.memref_slice %arg2[%run_scoped3A_3, %mul3A_2] : memref<4x1024xi32, #tpu.memory_space<hbm>> -> memref<1x32xi32, #tpu.memory_space<hbm>>
      %dma_start3A_19 = tpu.memref_squeeze %dma_start3A_18 : memref<1x32xi32, #tpu.memory_space<hbm>> -> memref<32xi32, #tpu.memory_space<hbm>>
      %dma_start3A_20 = arith.constant 32 : i32
      %dma_start3A_21 = tpu.memref_slice %arg5[%dma_start3A_20] : memref<128xi32, #tpu.memory_space<vmem>> -> memref<32xi32, #tpu.memory_space<vmem>>
      %dma_start3A_22 = tpu.memref_slice %arg2[%run_scoped3A_3, %mul3A_2] : memref<4x1024xi32, #tpu.memory_space<hbm>> -> memref<1x32xi32, #tpu.memory_space<hbm>>
      %dma_start3A_23 = tpu.memref_squeeze %dma_start3A_22 : memref<1x32xi32, #tpu.memory_space<hbm>> -> memref<32xi32, #tpu.memory_space<hbm>>
      tpu.enqueue_dma source(%dma_start3A_23 : memref<32xi32, #tpu.memory_space<hbm>>) target(%dma_start3A_21 : memref<32xi32, #tpu.memory_space<vmem>>) target_semaphore(%run_scoped3A_15 : memref<!tpu.dma_semaphore, #tpu.memory_space<semaphore_mem>>)
      %dma_wait3A_24 = arith.constant 32 : i32
      %dma_wait3A_25 = tpu.memref_slice %arg5[%dma_wait3A_24] : memref<128xi32, #tpu.memory_space<vmem>> -> memref<32xi32, #tpu.memory_space<vmem>>
      %dma_wait3A_26 = tpu.memref_slice %arg2[%run_scoped3A_3, %mul3A_2] : memref<4x1024xi32, #tpu.memory_space<hbm>> -> memref<1x32xi32, #tpu.memory_space<hbm>>
      %dma_wait3A_27 = tpu.memref_squeeze %dma_wait3A_26 : memref<1x32xi32, #tpu.memory_space<hbm>> -> memref<32xi32, #tpu.memory_space<hbm>>
      %dma_wait3A_28 = arith.constant 32 : i32
      %dma_wait3A_29 = tpu.memref_slice %arg5[%dma_wait3A_28] : memref<128xi32, #tpu.memory_space<vmem>> -> memref<32xi32, #tpu.memory_space<vmem>>
      %dma_wait3A_30 = tpu.memref_slice %arg2[%run_scoped3A_3, %mul3A_2] : memref<4x1024xi32, #tpu.memory_space<hbm>> -> memref<1x32xi32, #tpu.memory_space<hbm>>
      %dma_wait3A_31 = tpu.memref_squeeze %dma_wait3A_30 : memref<1x32xi32, #tpu.memory_space<hbm>> -> memref<32xi32, #tpu.memory_space<hbm>>
      tpu.wait_dma2 semaphore(%run_scoped3A_15 : memref<!tpu.dma_semaphore, #tpu.memory_space<semaphore_mem>>) src(%dma_wait3A_31 : memref<32xi32, #tpu.memory_space<hbm>>) dst(%dma_wait3A_29 : memref<32xi32, #tpu.memory_space<vmem>>)
      tpu.yield
    }) : () -> ()
    %run_scoped3A_4 = arith.constant 2 : i32
    "tpu.region"() ({
      %run_scoped3A_15 = tpu.sem_alloc : memref<!tpu.dma_semaphore, #tpu.memory_space<semaphore_mem>>
      %dma_start3A_16 = arith.constant 64 : i32
      %dma_start3A_17 = tpu.memref_slice %arg5[%dma_start3A_16] : memref<128xi32, #tpu.memory_space<vmem>> -> memref<32xi32, #tpu.memory_space<vmem>>
      %dma_start3A_18 = tpu.memref_slice %arg2[%run_scoped3A_4, %mul3A_2] : memref<4x1024xi32, #tpu.memory_space<hbm>> -> memref<1x32xi32, #tpu.memory_space<hbm>>
      %dma_start3A_19 = tpu.memref_squeeze %dma_start3A_18 : memref<1x32xi32, #tpu.memory_space<hbm>> -> memref<32xi32, #tpu.memory_space<hbm>>
      %dma_start3A_20 = arith.constant 64 : i32
      %dma_start3A_21 = tpu.memref_slice %arg5[%dma_start3A_20] : memref<128xi32, #tpu.memory_space<vmem>> -> memref<32xi32, #tpu.memory_space<vmem>>
      %dma_start3A_22 = tpu.memref_slice %arg2[%run_scoped3A_4, %mul3A_2] : memref<4x1024xi32, #tpu.memory_space<hbm>> -> memref<1x32xi32, #tpu.memory_space<hbm>>
      %dma_start3A_23 = tpu.memref_squeeze %dma_start3A_22 : memref<1x32xi32, #tpu.memory_space<hbm>> -> memref<32xi32, #tpu.memory_space<hbm>>
      tpu.enqueue_dma source(%dma_start3A_23 : memref<32xi32, #tpu.memory_space<hbm>>) target(%dma_start3A_21 : memref<32xi32, #tpu.memory_space<vmem>>) target_semaphore(%run_scoped3A_15 : memref<!tpu.dma_semaphore, #tpu.memory_space<semaphore_mem>>)
      %dma_wait3A_24 = arith.constant 64 : i32
      %dma_wait3A_25 = tpu.memref_slice %arg5[%dma_wait3A_24] : memref<128xi32, #tpu.memory_space<vmem>> -> memref<32xi32, #tpu.memory_space<vmem>>
      %dma_wait3A_26 = tpu.memref_slice %arg2[%run_scoped3A_4, %mul3A_2] : memref<4x1024xi32, #tpu.memory_space<hbm>> -> memref<1x32xi32, #tpu.memory_space<hbm>>
      %dma_wait3A_27 = tpu.memref_squeeze %dma_wait3A_26 : memref<1x32xi32, #tpu.memory_space<hbm>> -> memref<32xi32, #tpu.memory_space<hbm>>
      %dma_wait3A_28 = arith.constant 64 : i32
      %dma_wait3A_29 = tpu.memref_slice %arg5[%dma_wait3A_28] : memref<128xi32, #tpu.memory_space<vmem>> -> memref<32xi32, #tpu.memory_space<vmem>>
      %dma_wait3A_30 = tpu.memref_slice %arg2[%run_scoped3A_4, %mul3A_2] : memref<4x1024xi32, #tpu.memory_space<hbm>> -> memref<1x32xi32, #tpu.memory_space<hbm>>
      %dma_wait3A_31 = tpu.memref_squeeze %dma_wait3A_30 : memref<1x32xi32, #tpu.memory_space<hbm>> -> memref<32xi32, #tpu.memory_space<hbm>>
      tpu.wait_dma2 semaphore(%run_scoped3A_15 : memref<!tpu.dma_semaphore, #tpu.memory_space<semaphore_mem>>) src(%dma_wait3A_31 : memref<32xi32, #tpu.memory_space<hbm>>) dst(%dma_wait3A_29 : memref<32xi32, #tpu.memory_space<vmem>>)
      tpu.yield
    }) : () -> ()
    %run_scoped3A_5 = arith.constant 3 : i32
    "tpu.region"() ({
      %run_scoped3A_15 = tpu.sem_alloc : memref<!tpu.dma_semaphore, #tpu.memory_space<semaphore_mem>>
      %dma_start3A_16 = arith.constant 96 : i32
      %dma_start3A_17 = tpu.memref_slice %arg5[%dma_start3A_16] : memref<128xi32, #tpu.memory_space<vmem>> -> memref<32xi32, #tpu.memory_space<vmem>>
      %dma_start3A_18 = tpu.memref_slice %arg2[%run_scoped3A_5, %mul3A_2] : memref<4x1024xi32, #tpu.memory_space<hbm>> -> memref<1x32xi32, #tpu.memory_space<hbm>>
      %dma_start3A_19 = tpu.memref_squeeze %dma_start3A_18 : memref<1x32xi32, #tpu.memory_space<hbm>> -> memref<32xi32, #tpu.memory_space<hbm>>
      %dma_start3A_20 = arith.constant 96 : i32
      %dma_start3A_21 = tpu.memref_slice %arg5[%dma_start3A_20] : memref<128xi32, #tpu.memory_space<vmem>> -> memref<32xi32, #tpu.memory_space<vmem>>
      %dma_start3A_22 = tpu.memref_slice %arg2[%run_scoped3A_5, %mul3A_2] : memref<4x1024xi32, #tpu.memory_space<hbm>> -> memref<1x32xi32, #tpu.memory_space<hbm>>
      %dma_start3A_23 = tpu.memref_squeeze %dma_start3A_22 : memref<1x32xi32, #tpu.memory_space<hbm>> -> memref<32xi32, #tpu.memory_space<hbm>>
      tpu.enqueue_dma source(%dma_start3A_23 : memref<32xi32, #tpu.memory_space<hbm>>) target(%dma_start3A_21 : memref<32xi32, #tpu.memory_space<vmem>>) target_semaphore(%run_scoped3A_15 : memref<!tpu.dma_semaphore, #tpu.memory_space<semaphore_mem>>)
      %dma_wait3A_24 = arith.constant 96 : i32
      %dma_wait3A_25 = tpu.memref_slice %arg5[%dma_wait3A_24] : memref<128xi32, #tpu.memory_space<vmem>> -> memref<32xi32, #tpu.memory_space<vmem>>
      %dma_wait3A_26 = tpu.memref_slice %arg2[%run_scoped3A_5, %mul3A_2] : memref<4x1024xi32, #tpu.memory_space<hbm>> -> memref<1x32xi32, #tpu.memory_space<hbm>>
      %dma_wait3A_27 = tpu.memref_squeeze %dma_wait3A_26 : memref<1x32xi32, #tpu.memory_space<hbm>> -> memref<32xi32, #tpu.memory_space<hbm>>
      %dma_wait3A_28 = arith.constant 96 : i32
      %dma_wait3A_29 = tpu.memref_slice %arg5[%dma_wait3A_28] : memref<128xi32, #tpu.memory_space<vmem>> -> memref<32xi32, #tpu.memory_space<vmem>>
      %dma_wait3A_30 = tpu.memref_slice %arg2[%run_scoped3A_5, %mul3A_2] : memref<4x1024xi32, #tpu.memory_space<hbm>> -> memref<1x32xi32, #tpu.memory_space<hbm>>
      %dma_wait3A_31 = tpu.memref_squeeze %dma_wait3A_30 : memref<1x32xi32, #tpu.memory_space<hbm>> -> memref<32xi32, #tpu.memory_space<hbm>>
      tpu.wait_dma2 semaphore(%run_scoped3A_15 : memref<!tpu.dma_semaphore, #tpu.memory_space<semaphore_mem>>) src(%dma_wait3A_31 : memref<32xi32, #tpu.memory_space<hbm>>) dst(%dma_wait3A_29 : memref<32xi32, #tpu.memory_space<vmem>>)
      tpu.yield
    }) : () -> ()
    %dma_start3A = arith.constant 0 : i32
    %dma_start3A_6 = arith.constant 0 : i32
    %dma_start3A_7 = tpu.memref_slice %arg3[%dma_start3A, %dma_start3A_6] : memref<100000x128xf32, #tpu.memory_space<hbm>> -> memref<100000x128xf32, #tpu.memory_space<hbm>>
    tpu.enqueue_indirect_dma source(%dma_start3A_7 : memref<100000x128xf32, #tpu.memory_space<hbm>>) target(%arg6 : memref<128x128xf32, #tpu.memory_space<vmem>>) offsets(%arg5 : memref<128xi32, #tpu.memory_space<vmem>>) semaphore(%arg8 : memref<!tpu.dma_semaphore, #tpu.memory_space<semaphore_mem>>)
    %dma_wait3A = arith.constant 0 : i32
    %dma_wait3A_8 = arith.constant 0 : i32
    %dma_wait3A_9 = tpu.memref_slice %arg3[%dma_wait3A, %dma_wait3A_8] : memref<100000x128xf32, #tpu.memory_space<hbm>> -> memref<100000x128xf32, #tpu.memory_space<hbm>>
    tpu.wait_indirect_dma semaphore(%arg8 : memref<!tpu.dma_semaphore, #tpu.memory_space<semaphore_mem>>) src(%dma_wait3A_9 : memref<100000x128xf32, #tpu.memory_space<hbm>>) dst(%arg6 : memref<128x128xf32, #tpu.memory_space<vmem>>)
    %scan3A = arith.constant 0 : i32
    %scan3A_10 = arith.constant 0 : i32
    %scan3A_11 = arith.constant 32 : i32
    %scan3A_12 = arith.addi %scan3A_10, %scan3A_11 : i32
    %scan3A_13 = arith.constant 1 : i32
    scf.for %scan3A_15 = %scan3A_10 to %scan3A_12 step %scan3A_13  : i32 {
      %get3A = arith.index_cast %scan3A_15 : i32 to index
      %get3A_16 = arith.constant 0 : index
      %get3A_17 = tpu.vector_load %arg6[%get3A, %get3A_16] {strides = array<i32>} : memref<128x128xf32, #tpu.memory_space<vmem>>, vector<1x16xf32>,
      %get3A_18 = vector.shape_cast %get3A_17 : vector<1x16xf32> to vector<16xf32>
      %add3A_19 = arith.constant 32 : i32
      %add3A_20 = arith.addi %scan3A_15, %add3A_19 : i32
      %get3A_21 = arith.index_cast %add3A_20 : i32 to index
      %get3A_22 = arith.constant 0 : index
      %get3A_23 = tpu.vector_load %arg6[%get3A_21, %get3A_22] {strides = array<i32>} : memref<128x128xf32, #tpu.memory_space<vmem>>, vector<1x16xf32>,
      %get3A_24 = vector.shape_cast %get3A_23 : vector<1x16xf32> to vector<16xf32>
      %add3A_25 = arith.addf %get3A_18, %get3A_24 : vector<16xf32>
      %add3A_26 = arith.constant 64 : i32
      %add3A_27 = arith.addi %scan3A_15, %add3A_26 : i32
      %get3A_28 = arith.index_cast %add3A_27 : i32 to index
      %get3A_29 = arith.constant 0 : index
      %get3A_30 = tpu.vector_load %arg6[%get3A_28, %get3A_29] {strides = array<i32>} : memref<128x128xf32, #tpu.memory_space<vmem>>, vector<1x16xf32>,
      %get3A_31 = vector.shape_cast %get3A_30 : vector<1x16xf32> to vector<16xf32>
      %add3A_32 = arith.addf %add3A_25, %get3A_31 : vector<16xf32>
      %add3A_33 = arith.constant 96 : i32
      %add3A_34 = arith.addi %scan3A_15, %add3A_33 : i32
      %get3A_35 = arith.index_cast %add3A_34 : i32 to index
      %get3A_36 = arith.constant 0 : index
      %get3A_37 = tpu.vector_load %arg6[%get3A_35, %get3A_36] {strides = array<i32>} : memref<128x128xf32, #tpu.memory_space<vmem>>, vector<1x16xf32>,
      %get3A_38 = vector.shape_cast %get3A_37 : vector<1x16xf32> to vector<16xf32>
      %add3A_39 = arith.addf %add3A_32, %get3A_38 : vector<16xf32>
      %swap3A = arith.index_cast %scan3A_15 : i32 to index
      %swap3A_40 = arith.constant 0 : index
      %swap3A_41 = tpu.vector_load %arg7[%swap3A, %swap3A_40] {strides = array<i32>} : memref<32x64xf32, #tpu.memory_space<vmem>>, vector<1x16xf32>,
      %swap3A_42 = vector.shape_cast %swap3A_41 : vector<1x16xf32> to vector<16xf32>
      %swap3A_43 = vector.shape_cast %add3A_39 : vector<16xf32> to vector<1x16xf32>
      tpu.vector_store %arg7[%swap3A, %swap3A_40], %swap3A_43 {strides = array<i32>} : memref<32x64xf32, #tpu.memory_space<vmem>>, vector<1x16xf32>,
      %get3A_44 = arith.index_cast %scan3A_15 : i32 to index
      %get3A_45 = arith.constant 16 : index
      %get3A_46 = tpu.vector_load %arg6[%get3A_44, %get3A_45] {strides = array<i32>} : memref<128x128xf32, #tpu.memory_space<vmem>>, vector<1x16xf32>,
      %get3A_47 = vector.shape_cast %get3A_46 : vector<1x16xf32> to vector<16xf32>
      %add3A_48 = arith.constant 32 : i32
      %add3A_49 = arith.addi %scan3A_15, %add3A_48 : i32
      %get3A_50 = arith.index_cast %add3A_49 : i32 to index
      %get3A_51 = arith.constant 16 : index
      %get3A_52 = tpu.vector_load %arg6[%get3A_50, %get3A_51] {strides = array<i32>} : memref<128x128xf32, #tpu.memory_space<vmem>>, vector<1x16xf32>,
      %get3A_53 = vector.shape_cast %get3A_52 : vector<1x16xf32> to vector<16xf32>
      %add3A_54 = arith.addf %get3A_47, %get3A_53 : vector<16xf32>
      %add3A_55 = arith.constant 64 : i32
      %add3A_56 = arith.addi %scan3A_15, %add3A_55 : i32
      %get3A_57 = arith.index_cast %add3A_56 : i32 to index
      %get3A_58 = arith.constant 16 : index
      %get3A_59 = tpu.vector_load %arg6[%get3A_57, %get3A_58] {strides = array<i32>} : memref<128x128xf32, #tpu.memory_space<vmem>>, vector<1x16xf32>,
      %get3A_60 = vector.shape_cast %get3A_59 : vector<1x16xf32> to vector<16xf32>
      %add3A_61 = arith.addf %add3A_54, %get3A_60 : vector<16xf32>
      %add3A_62 = arith.constant 96 : i32
      %add3A_63 = arith.addi %scan3A_15, %add3A_62 : i32
      %get3A_64 = arith.index_cast %add3A_63 : i32 to index
      %get3A_65 = arith.constant 16 : index
      %get3A_66 = tpu.vector_load %arg6[%get3A_64, %get3A_65] {strides = array<i32>} : memref<128x128xf32, #tpu.memory_space<vmem>>, vector<1x16xf32>,
      %get3A_67 = vector.shape_cast %get3A_66 : vector<1x16xf32> to vector<16xf32>
      %add3A_68 = arith.addf %add3A_61, %get3A_67 : vector<16xf32>
      %swap3A_69 = arith.index_cast %scan3A_15 : i32 to index
      %swap3A_70 = arith.constant 16 : index
      %swap3A_71 = tpu.vector_load %arg7[%swap3A_69, %swap3A_70] {strides = array<i32>} : memref<32x64xf32, #tpu.memory_space<vmem>>, vector<1x16xf32>,
      %swap3A_72 = vector.shape_cast %swap3A_71 : vector<1x16xf32> to vector<16xf32>
      %swap3A_73 = vector.shape_cast %add3A_68 : vector<16xf32> to vector<1x16xf32>
      tpu.vector_store %arg7[%swap3A_69, %swap3A_70], %swap3A_73 {strides = array<i32>} : memref<32x64xf32, #tpu.memory_space<vmem>>, vector<1x16xf32>,
      %get3A_74 = arith.index_cast %scan3A_15 : i32 to index
      %get3A_75 = arith.constant 32 : index
      %get3A_76 = tpu.vector_load %arg6[%get3A_74, %get3A_75] {strides = array<i32>} : memref<128x128xf32, #tpu.memory_space<vmem>>, vector<1x16xf32>,
      %get3A_77 = vector.shape_cast %get3A_76 : vector<1x16xf32> to vector<16xf32>
      %add3A_78 = arith.constant 32 : i32
      %add3A_79 = arith.addi %scan3A_15, %add3A_78 : i32
      %get3A_80 = arith.index_cast %add3A_79 : i32 to index
      %get3A_81 = arith.constant 32 : index
      %get3A_82 = tpu.vector_load %arg6[%get3A_80, %get3A_81] {strides = array<i32>} : memref<128x128xf32, #tpu.memory_space<vmem>>, vector<1x16xf32>,
      %get3A_83 = vector.shape_cast %get3A_82 : vector<1x16xf32> to vector<16xf32>
      %add3A_84 = arith.addf %get3A_77, %get3A_83 : vector<16xf32>
      %add3A_85 = arith.constant 64 : i32
      %add3A_86 = arith.addi %scan3A_15, %add3A_85 : i32
      %get3A_87 = arith.index_cast %add3A_86 : i32 to index
      %get3A_88 = arith.constant 32 : index
      %get3A_89 = tpu.vector_load %arg6[%get3A_87, %get3A_88] {strides = array<i32>} : memref<128x128xf32, #tpu.memory_space<vmem>>, vector<1x16xf32>,
      %get3A_90 = vector.shape_cast %get3A_89 : vector<1x16xf32> to vector<16xf32>
      %add3A_91 = arith.addf %add3A_84, %get3A_90 : vector<16xf32>
      %add3A_92 = arith.constant 96 : i32
      %add3A_93 = arith.addi %scan3A_15, %add3A_92 : i32
      %get3A_94 = arith.index_cast %add3A_93 : i32 to index
      %get3A_95 = arith.constant 32 : index
      %get3A_96 = tpu.vector_load %arg6[%get3A_94, %get3A_95] {strides = array<i32>} : memref<128x128xf32, #tpu.memory_space<vmem>>, vector<1x16xf32>,
      %get3A_97 = vector.shape_cast %get3A_96 : vector<1x16xf32> to vector<16xf32>
      %add3A_98 = arith.addf %add3A_91, %get3A_97 : vector<16xf32>
      %swap3A_99 = arith.index_cast %scan3A_15 : i32 to index
      %swap3A_100 = arith.constant 32 : index
      %swap3A_101 = tpu.vector_load %arg7[%swap3A_99, %swap3A_100] {strides = array<i32>} : memref<32x64xf32, #tpu.memory_space<vmem>>, vector<1x16xf32>,
      %swap3A_102 = vector.shape_cast %swap3A_101 : vector<1x16xf32> to vector<16xf32>
      %swap3A_103 = vector.shape_cast %add3A_98 : vector<16xf32> to vector<1x16xf32>
      tpu.vector_store %arg7[%swap3A_99, %swap3A_100], %swap3A_103 {strides = array<i32>} : memref<32x64xf32, #tpu.memory_space<vmem>>, vector<1x16xf32>,
      %get3A_104 = arith.index_cast %scan3A_15 : i32 to index
      %get3A_105 = arith.constant 48 : index
      %get3A_106 = tpu.vector_load %arg6[%get3A_104, %get3A_105] {strides = array<i32>} : memref<128x128xf32, #tpu.memory_space<vmem>>, vector<1x16xf32>,
      %get3A_107 = vector.shape_cast %get3A_106 : vector<1x16xf32> to vector<16xf32>
      %add3A_108 = arith.constant 32 : i32
      %add3A_109 = arith.addi %scan3A_15, %add3A_108 : i32
      %get3A_110 = arith.index_cast %add3A_109 : i32 to index
      %get3A_111 = arith.constant 48 : index
      %get3A_112 = tpu.vector_load %arg6[%get3A_110, %get3A_111] {strides = array<i32>} : memref<128x128xf32, #tpu.memory_space<vmem>>, vector<1x16xf32>,
      %get3A_113 = vector.shape_cast %get3A_112 : vector<1x16xf32> to vector<16xf32>
      %add3A_114 = arith.addf %get3A_107, %get3A_113 : vector<16xf32>
      %add3A_115 = arith.constant 64 : i32
      %add3A_116 = arith.addi %scan3A_15, %add3A_115 : i32
      %get3A_117 = arith.index_cast %add3A_116 : i32 to index
      %get3A_118 = arith.constant 48 : index
      %get3A_119 = tpu.vector_load %arg6[%get3A_117, %get3A_118] {strides = array<i32>} : memref<128x128xf32, #tpu.memory_space<vmem>>, vector<1x16xf32>,
      %get3A_120 = vector.shape_cast %get3A_119 : vector<1x16xf32> to vector<16xf32>
      %add3A_121 = arith.addf %add3A_114, %get3A_120 : vector<16xf32>
      %add3A_122 = arith.constant 96 : i32
      %add3A_123 = arith.addi %scan3A_15, %add3A_122 : i32
      %get3A_124 = arith.index_cast %add3A_123 : i32 to index
      %get3A_125 = arith.constant 48 : index
      %get3A_126 = tpu.vector_load %arg6[%get3A_124, %get3A_125] {strides = array<i32>} : memref<128x128xf32, #tpu.memory_space<vmem>>, vector<1x16xf32>,
      %get3A_127 = vector.shape_cast %get3A_126 : vector<1x16xf32> to vector<16xf32>
      %add3A_128 = arith.addf %add3A_121, %get3A_127 : vector<16xf32>
      %swap3A_129 = arith.index_cast %scan3A_15 : i32 to index
      %swap3A_130 = arith.constant 48 : index
      %swap3A_131 = tpu.vector_load %arg7[%swap3A_129, %swap3A_130] {strides = array<i32>} : memref<32x64xf32, #tpu.memory_space<vmem>>, vector<1x16xf32>,
      %swap3A_132 = vector.shape_cast %swap3A_131 : vector<1x16xf32> to vector<16xf32>
      %swap3A_133 = vector.shape_cast %add3A_128 : vector<16xf32> to vector<1x16xf32>
      tpu.vector_store %arg7[%swap3A_129, %swap3A_130], %swap3A_133 {strides = array<i32>} : memref<32x64xf32, #tpu.memory_space<vmem>>, vector<1x16xf32>,
    }
    %scan3A_14 = arith.constant 32 : i32
    "tpu.region"() ({
      %run_scoped3A_15 = tpu.sem_alloc : memref<!tpu.dma_semaphore, #tpu.memory_space<semaphore_mem>>
      %dma_start3A_16 = arith.constant 0 : i32
      %dma_start3A_17 = tpu.memref_slice %arg4[%mul3A_2, %dma_start3A_16] : memref<1024x64xf32, #tpu.memory_space<hbm>> -> memref<32x64xf32, #tpu.memory_space<hbm>>
      %dma_start3A_18 = arith.constant 0 : i32
      %dma_start3A_19 = tpu.memref_slice %arg4[%mul3A_2, %dma_start3A_18] : memref<1024x64xf32, #tpu.memory_space<hbm>> -> memref<32x64xf32, #tpu.memory_space<hbm>>
      tpu.enqueue_dma source(%arg7 : memref<32x64xf32, #tpu.memory_space<vmem>>) target(%dma_start3A_19 : memref<32x64xf32, #tpu.memory_space<hbm>>) target_semaphore(%run_scoped3A_15 : memref<!tpu.dma_semaphore, #tpu.memory_space<semaphore_mem>>)
      %dma_wait3A_20 = arith.constant 0 : i32
      %dma_wait3A_21 = tpu.memref_slice %arg4[%mul3A_2, %dma_wait3A_20] : memref<1024x64xf32, #tpu.memory_space<hbm>> -> memref<32x64xf32, #tpu.memory_space<hbm>>
      %dma_wait3A_22 = arith.constant 0 : i32
      %dma_wait3A_23 = tpu.memref_slice %arg4[%mul3A_2, %dma_wait3A_22] : memref<1024x64xf32, #tpu.memory_space<hbm>> -> memref<32x64xf32, #tpu.memory_space<hbm>>
      tpu.wait_dma2 semaphore(%run_scoped3A_15 : memref<!tpu.dma_semaphore, #tpu.memory_space<semaphore_mem>>) src(%arg7 : memref<32x64xf32, #tpu.memory_space<vmem>>) dst(%dma_wait3A_23 : memref<32x64xf32, #tpu.memory_space<hbm>>)
      tpu.yield
    }) : () -> ()
    return
  }
}

module attributes {stable_mosaic.version = 14 : i64} {
  func.func @mm(%arg0: i32, %arg1: memref<64x2048xf32, #tpu.memory_space<vmem>>, %arg2: memref<1x2048xf32, #tpu.memory_space<vmem>>, %arg3: memref<1024x65xf32, #tpu.memory_space<vmem>>, %arg4: memref<2048x1024xf32, #tpu.memory_space<vmem>>) attributes {dimension_semantics = [#tpu.dimension_semantics<arbitrary>], iteration_bounds = array<i64: 49>, scalar_prefetch = 0 : i64, scratch_operands = 0 : i64, tpu.core_type = #tpu.core_type<tc>, window_params = [{transform_indices = @transform_0, window_bounds = array<i64: 64, 2048>}, {transform_indices = @transform_1, window_bounds = array<i64: 1, 2048>}, {pipeline_mode = #tpu.pipeline_mode<synchronous>, transform_indices = @transform_2, window_bounds = array<i64: 1024, 65>}, {transform_indices = @transform_3, window_bounds = array<i64: 2048, 1024>}]} {
    %get3A = arith.constant 0 : index
    %get3A_0 = arith.constant 0 : index
    %get3A_1 = vector.load %arg1[%get3A, %get3A_0] : memref<64x2048xf32, #tpu.memory_space<vmem>>, vector<64x2048xf32>
    %get3A_2 = arith.constant 0 : index
    %get3A_3 = arith.constant 0 : index
    %get3A_4 = vector.load %arg2[%get3A_2, %get3A_3] : memref<1x2048xf32, #tpu.memory_space<vmem>>, vector<1x2048xf32>
    %concatenate3A = tpu.concatenate %get3A_1, %get3A_4 in 0 : vector<64x2048xf32>, vector<1x2048xf32> -> vector<65x2048xf32>
    %get3A_5 = arith.constant 0 : index
    %get3A_6 = arith.constant 0 : index
    %get3A_7 = vector.load %arg3[%get3A_5, %get3A_6] : memref<1024x65xf32, #tpu.memory_space<vmem>>, vector<1024x65xf32>
    %dot_general3A = arith.constant dense<0.000000e+00> : vector<2048x1024xf32>
    %dot_general3A_8 = tpu.matmul %concatenate3A, %get3A_7, %dot_general3A {dimension_numbers = #tpu.dot_dimension_numbers<[0], [1], [1], [0], [0, 1, 1, 0], [], []>, transpose_lhs_hint = false} : vector<65x2048xf32>, vector<1024x65xf32>, vector<2048x1024xf32> -> vector<2048x1024xf32>
    %swap3A = arith.constant 0 : index
    %swap3A_9 = arith.constant 0 : index
    %swap3A_10 = vector.load %arg4[%swap3A, %swap3A_9] : memref<2048x1024xf32, #tpu.memory_space<vmem>>, vector<2048x1024xf32>
    tpu.vector_store %arg4[%swap3A, %swap3A_9], %dot_general3A_8 {strides = array<i32>} : memref<2048x1024xf32, #tpu.memory_space<vmem>>, vector<2048x1024xf32>,
    return
  }
  func.func @transform_0(%arg0: i32) -> (i32, i32) {
    %c0_i32 = arith.constant 0 : i32
    %c0_i32_0 = arith.constant 0 : i32
    return %c0_i32, %arg0 : i32, i32
  }
  func.func @transform_1(%arg0: i32) -> (i32, i32) {
    %c0_i32 = arith.constant 0 : i32
    %c0_i32_0 = arith.constant 0 : i32
    return %c0_i32, %arg0 : i32, i32
  }
  func.func @transform_2(%arg0: i32) -> (i32, i32) {
    %c0_i32 = arith.constant 0 : i32
    %c0_i32_0 = arith.constant 0 : i32
    %c0_i32_1 = arith.constant 0 : i32
    return %c0_i32, %c0_i32_0 : i32, i32
  }
  func.func @transform_3(%arg0: i32) -> (i32, i32) {
    %c0_i32 = arith.constant 0 : i32
    %c0_i32_0 = arith.constant 0 : i32
    return %arg0, %c0_i32 : i32, i32
  }
}

module attributes {stable_mosaic.version = 14 : i64} {
  func.func @tp(%arg0: i32, %arg1: memref<64x2048xf32, #tpu.memory_space<vmem>>, %arg2: memref<64x64xf32, #tpu.memory_space<vmem>>, %arg3: memref<2048x128xf32, #tpu.memory_space<vmem>>) attributes {dimension_semantics = [#tpu.dimension_semantics<arbitrary>], iteration_bounds = array<i64: 49>, scalar_prefetch = 0 : i64, scratch_operands = 0 : i64, tpu.core_type = #tpu.core_type<tc>, window_params = [{transform_indices = @transform_0, window_bounds = array<i64: 64, 2048>}, {pipeline_mode = #tpu.pipeline_mode<synchronous>, transform_indices = @transform_1, window_bounds = array<i64: 64, 64>}, {transform_indices = @transform_2, window_bounds = array<i64: 2048, 128>}]} {
    %get3A = arith.constant 0 : index
    %get3A_0 = arith.constant 0 : index
    %get3A_1 = vector.load %arg1[%get3A, %get3A_0] : memref<64x2048xf32, #tpu.memory_space<vmem>>, vector<64x2048xf32>
    %get3A_2 = arith.constant 0 : index
    %get3A_3 = arith.constant 0 : index
    %get3A_4 = vector.load %arg2[%get3A_2, %get3A_3] : memref<64x64xf32, #tpu.memory_space<vmem>>, vector<64x64xf32>
    %dot_general3A = arith.constant dense<0.000000e+00> : vector<2048x64xf32>
    %dot_general3A_5 = tpu.matmul %get3A_1, %get3A_4, %dot_general3A {dimension_numbers = #tpu.dot_dimension_numbers<[0], [0], [1], [1], [0, 1, 1, 1], [], []>, transpose_lhs_hint = false} : vector<64x2048xf32>, vector<64x64xf32>, vector<2048x64xf32> -> vector<2048x64xf32>
    %broadcast_in_dim3A = arith.constant 0.000000e+00 : f32
    %broadcast_in_dim3A_6 = vector.broadcast %broadcast_in_dim3A : f32 to vector<2048x64xf32>
    %concatenate3A = tpu.concatenate %dot_general3A_5, %broadcast_in_dim3A_6 in 1 : vector<2048x64xf32>, vector<2048x64xf32> -> vector<2048x128xf32>
    %swap3A = arith.constant 0 : index
    %swap3A_7 = arith.constant 0 : index
    %swap3A_8 = vector.load %arg3[%swap3A, %swap3A_7] : memref<2048x128xf32, #tpu.memory_space<vmem>>, vector<2048x128xf32>
    tpu.vector_store %arg3[%swap3A, %swap3A_7], %concatenate3A {strides = array<i32>} : memref<2048x128xf32, #tpu.memory_space<vmem>>, vector<2048x128xf32>,
    return
  }
  func.func @transform_0(%arg0: i32) -> (i32, i32) {
    %c0_i32 = arith.constant 0 : i32
    %c0_i32_0 = arith.constant 0 : i32
    return %c0_i32, %arg0 : i32, i32
  }
  func.func @transform_1(%arg0: i32) -> (i32, i32) {
    %c0_i32 = arith.constant 0 : i32
    %c0_i32_0 = arith.constant 0 : i32
    %c0_i32_1 = arith.constant 0 : i32
    return %c0_i32, %c0_i32_0 : i32, i32
  }
  func.func @transform_2(%arg0: i32) -> (i32, i32) {
    %c0_i32 = arith.constant 0 : i32
    %c0_i32_0 = arith.constant 0 : i32
    return %arg0, %c0_i32 : i32, i32
  }
}

</mosaic_0001>

<sc_bundles>
// kernel: kernel.5.cloned.1.call-start
scs
__scs_entry_jumppad:
0x0: {  	(pc) =	sbr.rel $0x88, $3  }
0x1: {  	(tag) =	ssettag $0x0;
	lr =	simm.s32 $0x1  }
0x2: {  	[smem:$0x3F9D] =	sst lr;
	_ =	strace $0xD0000000  }
0x3: {  	_ = 	snop  }
0x4: {  	_ = 	snop  }
0x5: {  	_ = 	snop  }
0x6: {  	_ = 	snop  }
0x7: {  	_ = 	snop  }
__scs_overlays_trampoline_lowered:
0x8: {  	[smem:$0x3FAC] =	sst s0  }
0x9: {  	[smem:$0x3FAD] =	sst s1  }
0xa: {  	[smem:$0x3FAE] =	sst s2  }
0xb: {  	[smem:$0x3FAF] =	sst s3  }
0xc: {  	[smem:$0x3FB0] =	sst s4  }
0xd: {  	[smem:$0x3FB1] =	sst s5  }
0xe: {  	[smem:$0x3FB2] =	sst s6  }
0xf: {  	[smem:$0x3FB3] =	sst s7  }
0x10: {  	[smem:$0x3FB4] =	sst s8  }
0x11: {  	[smem:$0x3FB5] =	sst s9;
	s0 =	simm.s32 @!p0 $0x0  }
0x12: {  	s1 =	sld [smem:$0x3F9B];
	s0 =	simm.s32 @p0 $0x1  }
0x13: {  	[smem:$0x3FB6] =	sst s0;
	s0 =	simm.s32 @!p1 $0x0  }
0x14: {  	s2 =	sld [smem:$0x3F9A];
	s0 =	simm.s32 @p1 $0x1  }
0x15: {  	[smem:$0x3FB7] =	sst s0;
	s0 =	simm.s32 @!p2 $0x0  }
0x16: {  	s3 =	sld [smem:$0x3FDB];
	s0 =	simm.s32 @p2 $0x1  }
0x17: {  	s4 =	simm.s32 $0x1BF5;
	[smem:$0x3FB9] =	sst s0  }
0x18: {  	s0 =	sld [smem:$0x3F9C];
	_ =	swait.ge [sflag:s4], $0x0  }
0x19: {  	s7 =	sld [smem:$0x3F9D]  }
0x1a: {  	s8 =	sadd.s32 $0xFFFFE003, lr  }
0x1b: {  	s9 =	sadd.s32 $0xFFFFFEF7, lr;
	s5 =	simm.s32 $0xFFFFFFFF;
	p2 =	slt.u32 s8, $0xFFFFF086  }
0x1c: {  	p1 =	slt.u32 s9, $0xF7A;
	s5 =	simm.s32 @!p2 $0x0  }
0x1d: {  	s5 =	simm.s32 @p1 $0x1;
	p0 =	seq.s32 s7, s2  }
0x1e: {  	s7 =	smul.u32 @!p0 $0xF7A, s2;
	p2 =	seq.s32 @!p0 s5, $0x0  }
0x1f: {  	s9 =	smul.u32 $0xF7A, s1;
	s8 =	simm.s32 @!p0 $0x1BF5;
	p2 =	por !p2, p0  }
0x20: {  	[sflag:s8] =	ssyncset.s32 @!p0 $0xFFFFF086;
	s6 =	sadd.s32 @!p0 s3, s7;
	s7 =	simm.s32 @!p0 $0x108  }
0x21: {  	s3 =	sadd.s32 s3, s9;
	s6 =	sadd.s32 @!p0 $0x88, s6;
	s7 =	simm.s32 @p2 $0x1082  }
0x22: {  	[simem:s7], [sflag:s8] =	dma.local @!p0 [hbm:s6], $0xF7A  }
0x23: {  	s9 =	sor.u32 $0xD0000000, s2;
	s6 =	simm.s32 $0x108;
	_ =	swait.ge @!p0 [sflag:s8], $0x0  }
0x24: {  	s3 =	sadd.s32 $0x88, s3;
	s6 =	simm.s32 @!p1 $0x1082;
	[sflag:s4] =	ssyncset.s32 $0xFFFFF086  }
0x25: {  	[simem:s6], [sflag:s4] =	dma.local [hbm:s3], $0xF7A  }
0x26: {  	[smem:$0x3F9D] =	sst s1;
	(tag) =	ssettag s2;
	_ =	strace s9  }
0x27: {  	s1 =	sld [smem:$0x3FAD]  }
0x28: {  	s2 =	sld [smem:$0x3FAE]  }
0x29: {  	s4 =	sld [smem:$0x3FB0]  }
0x2a: {  	p0 =	seq.s32 s5, $0x0;
	s5 =	sld [smem:$0x3FB1]  }
0x2b: {  	s6 =	sld [smem:$0x3FB2]  }
0x2c: {  	s7 =	sld [smem:$0x3FB3]  }
0x2d: {  	s3 =	simm.s32 $0x108;
	s8 =	sld [smem:$0x3FB4]  }
0x2e: {  	s3 =	simm.s32 @!p0 $0x1082;
	s9 =	sld [smem:$0x3FB5]  }
0x2f: {  	lr =	sadd.s32 s0, s3;
	s0 =	sld [smem:$0x3FAC]  }
0x30: {  	s3 =	sld [smem:$0x3FAF]  }
0x31: {  	[smem:$0x3FB8] =	sst s10  }
0x32: {  	s10 =	sld [smem:$0x3FB6];
	_ =	sdelay $0x3  }
0x33: {  	p0 =	seq.s32 s10, $0x1;
	s10 =	sld [smem:$0x3FB8];
	_ =	sdelay $0x3  }
0x34: {  	[smem:$0x3FB8] =	sst s10  }
0x35: {  	s10 =	sld [smem:$0x3FB7];
	_ =	sdelay $0x3  }
0x36: {  	p1 =	seq.s32 s10, $0x1;
	s10 =	sld [smem:$0x3FB8];
	_ =	sdelay $0x3  }
0x37: {  	[smem:$0x3FB8] =	sst s10  }
0x38: {  	s10 =	sld [smem:$0x3FB9]  }
0x39: {  	_ = 	snop;
	(pc) =	sbr.ind lr, $3  }
0x3a: {  	_ = 	snop  }
0x3b: {  	_ = 	snop  }
0x3c: {  	p2 =	seq.s32 s10, $0x1;
	s10 =	sld [smem:$0x3FB8]  }
0x3d: {  	_ =	shalt  }
0x3e: {  	_ =	shalt  }
0x3f: {  	_ =	shalt  }
0x40: {  	_ =	shalt  }
0x41: {  	_ =	shalt  }
0x42: {  	_ =	shalt  }
0x43: {  	_ =	shalt  }
0x44: {  	_ =	shalt  }
0x45: {  	_ =	shalt  }
0x46: {  	_ =	shalt  }
0x47: {  	_ =	shalt  }
0x48: {  	_ =	shalt  }
0x49: {  	_ =	shalt  }
0x4a: {  	_ =	shalt  }
0x4b: {  	_ =	shalt  }
0x4c: {  	_ =	shalt  }
0x4d: {  	_ =	shalt  }
0x4e: {  	_ =	shalt  }
0x4f: {  	_ =	shalt  }
0x50: {  	_ =	shalt  }
0x51: {  	_ =	shalt  }
0x52: {  	_ =	shalt  }
0x53: {  	_ =	shalt  }
0x54: {  	_ =	shalt  }
0x55: {  	_ =	shalt  }
0x56: {  	_ =	shalt  }
0x57: {  	_ =	shalt  }
0x58: {  	_ =	shalt  }
0x59: {  	_ =	shalt  }
0x5a: {  	_ =	shalt  }
0x5b: {  	_ =	shalt  }
0x5c: {  	_ =	shalt  }
0x5d: {  	_ =	shalt  }
0x5e: {  	_ =	shalt  }
0x5f: {  	_ =	shalt  }
0x60: {  	_ =	shalt  }
0x61: {  	_ =	shalt  }
0x62: {  	_ =	shalt  }
0x63: {  	_ =	shalt  }
0x64: {  	_ =	shalt  }
0x65: {  	_ =	shalt  }
0x66: {  	_ =	shalt  }
0x67: {  	_ =	shalt  }
0x68: {  	_ =	shalt  }
0x69: {  	_ =	shalt  }
0x6a: {  	_ =	shalt  }
0x6b: {  	_ =	shalt  }
0x6c: {  	_ =	shalt  }
0x6d: {  	_ =	shalt  }
0x6e: {  	_ =	shalt  }
0x6f: {  	_ =	shalt  }
0x70: {  	_ =	shalt  }
0x71: {  	_ =	shalt  }
0x72: {  	_ =	shalt  }
0x73: {  	_ =	shalt  }
0x74: {  	_ =	shalt  }
0x75: {  	_ =	shalt  }
0x76: {  	_ =	shalt  }
0x77: {  	_ =	shalt  }
0x78: {  	_ =	shalt  }
0x79: {  	_ =	shalt  }
0x7a: {  	_ =	shalt  }
0x7b: {  	_ =	shalt  }
0x7c: {  	_ =	shalt  }
0x7d: {  	_ =	shalt  }
0x7e: {  	_ =	shalt  }
0x7f: {  	_ =	shalt  }
0x80: {  	_ =	shalt  }
0x81: {  	_ =	shalt  }
0x82: {  	_ =	shalt  }
0x83: {  	_ =	shalt  }
0x84: {  	_ =	shalt  }
0x85: {  	_ =	shalt  }
0x86: {  	_ =	shalt  }
0x87: {  	_ =	shalt  }
.Lfunc_end0:
.L_simem_size_0:
called_computation_lowered:
.L_overlay_start_0:
0x88: {  	s2 =	sld [smem:$0x3FD9]  }
0x89: {  	s3 =	sld [smem:$0x3FFE];
	_ =	sdelay $0x1  }
0x8a: {  	s1 =	srdreg.scid  }
0x8b: {  	s0 =	sand.u32 $0x1, s1  }
0x8c: {  	s17 =	sshll.u32 s0, $0xA;
	s2 =	sadd.s32 s3, s2  }
0x8d: {  	s2 =	sadd.s32 s2, s17  }
0x8e: {  	[smem:$0x3FC4] =	sst s2  }
0x8f: {  	_ = 	snop  }
0x90: {  	s2 =	sld [smem:$0x3FD0];
	(tm) =	ssettm $0x1  }
0x91: {  	s18 =	sld [smem:$0x3FFB];
	_ =	sdelay $0x3  }
0x92: {  	_ =	strace s18  }
0x93: {  	s3 =	sld [smem:$0x3FFC];
	_ =	sdelay $0x3  }
0x94: {  	_ =	strace s3  }
0x95: {  	s3 =	sld [smem:$0x3FFD];
	_ =	sdelay $0x3  }
0x96: {  	_ =	strace s3  }
0x97: {  	_ =	strace $0x8FFFFFFF  }
0x98: {  	s19 =	sld [smem:$0x3FDB];
	_ =	sdelay $0x1  }
0x99: {  	s4 =	simm.s32 $_scs_section_size  }
0x9a: {  	s5 =	simm.s32 $_size__tile_overlayer_lowered;
	s6 =	simm.s32 $_tile_overlayer_lowered  }
0x9b: {  	s22 =	simm.s32 $0x1BFF;
	s21 =	sshll.u32 s6, $0x1;
	s3 =	sadd.s32 s4, s19  }
0x9c: {  	s7 =	simm.s32 $0x0;
	s20 =	sshll.u32 s5, $0x1;
	s5 =	sadd.s32 s21, s3  }
0x9d: {  	[timem:s7], [sflag:s22] =	dma.local [hbm:s5], s20  }
0x9e: {  	_ =	swait.ge [sflag:s22], s20  }
0x9f: {  	s4 =	ssub.s32 $0x0, s20;
	[sflag:s22] =	ssyncset.done $0x0  }
0xa0: {  	[sflag:s22] =	ssyncadd.s32 s4;
	_ =	sdelay $0x1  }
0xa1: {  	s23 =	simm.s32 $0x1B8B  }
0xa2: {  	_ =	swait.ge [sflag:s23], $0x1  }
0xa3: {  	[sflag:s23] =	ssyncset.done $0x0  }
0xa4: {  	s25 =	simm.s32 $0x1B8E;
	s24 =	sld [smem:$0x3FFE];
	[sflag:s23] =	ssyncadd.s32 $0xFFFFFFFF  }
0xa5: {  	s26 =	simm.s32 $execute0_lowered;
	[smem:$0x3FD2] =	sst s25  }
0xa6: {  	s5 =	sshll.u32 s26, $0x1;
	_ =	strace $0x80000046;
	[dreg:$0x1] =	wrdreg $0xFFFFFFFF  }
0xa7: {  	s28 =	simm.s32 $_size_execute0_lowered;
	s3 =	sadd.s32 s3, s5;
	[dreg:$0x0] =	wrdreg $0x0  }
0xa8: {  	s5 =	sshll.u32 s28, $0x1;
	[dreg:$0x2] =	wrdreg s3  }
0xa9: {  	[dreg:$0x3] =	wrdreg s5  }
0xaa: {  	[dreg:$0x4] =	wrdreg $0xC0  }
0xab: {  	_ =	task [dreg:s7], $0x5FFFF  }
0xac: {  	[dreg:$0x1] =	wrdreg $0xFFFFFFFF  }
0xad: {  	[dreg:$0x0] =	wrdreg $0x60  }
0xae: {  	[dreg:$0x2] =	wrdreg s24  }
0xaf: {  	[dreg:$0x3] =	wrdreg s2  }
0xb0: {  	[dreg:$0x4] =	wrdreg $0x9  }
0xb1: {  	_ =	task.clear_ibuf [dreg:s7], $0x5FFFF;
	_ =	strace $0x90000046  }
0xb2: {  	s29 =	simm.s32 $0x9;
	_ =	strace $0x80000048  }
0xb3: {  	_ =	swait.ge [sflag:s29], $0x1  }
0xb4: {  	[sflag:s29] =	ssyncadd.s32 $0xFFFFFFFF  }
0xb5: {  	_ =	strace $0x90000048  }
0xb6: {  	_ =	sfence  }
0xb7: {  	s30 =	sld [smem:$0x0];
	_ =	sdelay $0x2  }
0xb8: {  	s31 =	sshll.u32 s1, $0xD;
	s1 =	sshrl.u32 s1, $0x2  }
0xb9: {  	s3 =	sand.u32 $0x4000, s31;
	s1 =	sadd.s32 s1, s30  }
0xba: {  	s0 =	sor.u32 s3, s0;
	s1 =	sshll.u32 s1, $0x11  }
0xbb: {  	s0 =	sor.u32 s1, s0  }
0xbc: {  	s0 =	sadd.s32 $0x8F2B, s0  }
0xbd: {  	[sflag:s0] =	ssyncadd.remote.s32 $0x1  }
0xbe: {  	_ =	sfence.sel $0xFFFF  }
0xbf: {  	[dreg:$0x0] =	wrdreg $0xFFFFFFFF;
	(pc) =	sbr.abs _section_cstart, $3  }
0xc0: {  	[dreg:$0x1] =	wrdreg $0xFFFFFFFF  }
0xc1: {  	_ =	task.clear_ibuf [dreg:s7], $0x2FFFF;
	_ =	strace $0x9FFFFFFF  }
0xc2: {  	(tm) =	ssettm $0x7FFFFFFF  }
0xc3: {  	_ =	shalt  }
tec
execute0_lowered:
.L_overlay_start_1:
0x0: {  	(tag) =	ssettag $0x1  }
0x1: {  	s4 =	rddreg [dreg:$0x0]  }
0x2: {  	s2 =	rddreg [dreg:$0x1]  }
0x3: {  	s0 =	rddreg [dreg:$0x2]  }
0x4: {  	s5 =	srdreg.scid;
	s3 =	simm.s32 $0x0;
	s1 =	stileid.u32  }
0x5: {  	s10 =	simm.s32 $0x2;
	s11 =	simm.s32 $0x20;
	s12 =	simm.s32 $0x40  }
0x6: {  	s13 =	simm.s32 $0x60;
	s14 =	simm.s32 $0x80;
	s15 =	simm.s32 $0x1  }
0x7: {  	s16 =	simm.s32 $0x4080;
	s17 =	simm.s32 $0x0;
	s5 =	sand.u32 $0x1, s5  }
0x8: {  	[smem:$0x7FF] =	sst s3;
	s6 =	sshll.u32 s1, $0x6;
	s7 =	sshll.u32 s5, $0x5  }
0x9: {  	_ =	strace $0x80000047;
	s5 =	ssub.s32 $0x2, s5;
	s6 =	sor.u32 s7, s6  }
0xa: {  	s31 =	sshrl.u32 s5, $0x1;
	s7 =	sshrl.u32 s6, $0x3;
	s6 =	sshll.u32 s6, $0x3  }
0xb: {  	s9 =	ssub.s32 s5, s31;
	s7 =	sadd.s32 s7, s4;
	s8 =	sadd.s32 s6, s4  }
0xc: {  	s9 =	smax.u32 s9, $0x1;
	s4 =	sadd.s32 $0x600, s7;
	s5 =	sadd.s32 $0x680, s7  }
0xd: {  	s6 =	sadd.s32 $0x700, s7;
	s7 =	sadd.s32 $0x780, s7;
	s8 =	sadd.s32 $0x800, s8  }
.LBB2_1:
0xe: {  	[tilespmem:s3], [sflag:$0x2] =	stream.linear.gather [hbm4b:s4+s3], $0x20, $0x38;
	[tilespmem:$0x4880] =	vst v63  }
0xf: {  	_ =	swait.ge [sflag:s10], $0x20  }
0x10: {  	[sflag:s10] =	ssyncset.done $0x0  }
0x11: {  	[sflag:s10] =	ssyncadd.s32 $0xFFFFFFE0  }
0x12: {  	[tilespmem:s11], [sflag:$0x2] =	stream.linear.gather [hbm4b:s5+s3], $0x20, $0x38;
	[tilespmem:$0x4880] =	vst v63  }
0x13: {  	_ =	swait.ge [sflag:s10], $0x20  }
0x14: {  	[sflag:s10] =	ssyncset.done $0x0  }
0x15: {  	[sflag:s10] =	ssyncadd.s32 $0xFFFFFFE0  }
0x16: {  	[tilespmem:s12], [sflag:$0x2] =	stream.linear.gather [hbm4b:s6+s3], $0x20, $0x38;
	[tilespmem:$0x4880] =	vst v63  }
0x17: {  	_ =	swait.ge [sflag:s10], $0x20  }
0x18: {  	[sflag:s10] =	ssyncset.done $0x0  }
0x19: {  	[sflag:s10] =	ssyncadd.s32 $0xFFFFFFE0  }
0x1a: {  	[tilespmem:s13], [sflag:$0x2] =	stream.linear.gather [hbm4b:s7+s3], $0x20, $0x38;
	[tilespmem:$0x4880] =	vst v63  }
0x1b: {  	_ =	swait.ge [sflag:s10], $0x20  }
0x1c: {  	[sflag:s10] =	ssyncset.done $0x0  }
0x1d: {  	[sflag:s10] =	ssyncadd.s32 $0xFFFFFFE0  }
0x1e: {  	[tilespmem:s14], [sflag:$0x1] =	stream.indirect.gather [hbm4b:s2+s14], $0x80, s3, s14, $0xb8;
	[tilespmem:$0x4880] =	vst v63  }
0x1f: {  	_ =	swait.ge [sflag:s15], $0x4000  }
0x20: {  	[sflag:s15] =	ssyncset.done $0x0  }
0x21: {  	s18 =	simm.s32 $0x2080;
	[sflag:s15] =	ssyncadd.s32 $0xFFFFC000  }
0x22: {  	v0 =	vld [tilespmem:s18+$0xFFFFF000]  }
0x23: {  	v1 =	vld [tilespmem:s18+$0xFFFFE000];
	_ =	sdelay $0x1  }
0x24: {  	v2 =	vld [tilespmem:s18+$0x0];
	_ =	sdelay $0x1  }
0x25: {  	v3 =	vld [tilespmem:s18+$0x1000]  }
0x26: {  	v0 =	vadd.f32 v0, v1;
	_ =	sdelay $0x1  }
0x27: {  	v0 =	vadd.f32 v2, v0;
	_ =	sdelay $0x1  }
0x28: {  	v0 =	vadd.f32 v3, v0  }
0x29: {  	s19 =	simm.s32 $0x0  }
0x2a: {  	[tilespmem:s19+$0x4080] =	vst v0  }
0x2b: {  	v0 =	vld [tilespmem:s18+$0xFFFFE010]  }
0x2c: {  	v1 =	vld [tilespmem:s18+$0xFFFFF010];
	_ =	sdelay $0x1  }
0x2d: {  	v2 =	vld [tilespmem:s18+$0x10];
	_ =	sdelay $0x1  }
0x2e: {  	v3 =	vld [tilespmem:s18+$0x1010]  }
0x2f: {  	v0 =	vadd.f32 v1, v0;
	_ =	sdelay $0x1  }
0x30: {  	v0 =	vadd.f32 v2, v0;
	_ =	sdelay $0x1  }
0x31: {  	v0 =	vadd.f32 v3, v0;
	_ =	sdelay $0x1  }
0x32: {  	[tilespmem:s19+$0x4090] =	vst v0  }
0x33: {  	v0 =	vld [tilespmem:s18+$0xFFFFE020]  }
0x34: {  	v1 =	vld [tilespmem:s18+$0xFFFFF020];
	_ =	sdelay $0x1  }
0x35: {  	v2 =	vld [tilespmem:s18+$0x20];
	_ =	sdelay $0x1  }
0x36: {  	v3 =	vld [tilespmem:s18+$0x1020]  }
0x37: {  	v0 =	vadd.f32 v1, v0;
	_ =	sdelay $0x1  }
0x38: {  	v0 =	vadd.f32 v2, v0;
	_ =	sdelay $0x1  }
0x39: {  	v0 =	vadd.f32 v3, v0;
	_ =	sdelay $0x1  }
0x3a: {  	[tilespmem:s19+$0x40A0] =	vst v0  }
0x3b: {  	v2 =	vld [tilespmem:s18+$0xFFFFE030]  }
0x3c: {  	v3 =	vld [tilespmem:s18+$0xFFFFF030];
	_ =	sdelay $0x1  }
0x3d: {  	v1 =	vld [tilespmem:s18+$0x30];
	_ =	sdelay $0x1  }
0x3e: {  	v0 =	vld [tilespmem:s18+$0x1030]  }
0x3f: {  	s20 =	simm.s32 $0x100;
	v2 =	vadd.f32 v3, v2  }
.LBB2_2:
0x40: {  	p0 =	sne.s32 s20, $0x1F00  }
0x41: {  	s18 =	sadd.s32 $0x80, s18;
	s21 =	smov.u32 s20;
	s20 =	sadd.s32 $0x100, s20;
	v1 =	vadd.f32 v1, v2  }
0x42: {  	_ = 	snop  }
0x43: {  	v0 =	vadd.f32 v0, v1;
	_ =	sdelay $0x1  }
0x44: {  	[tilespmem:s19+$0x40B0] =	vst v0  }
0x45: {  	v0 =	vld [tilespmem:s18+$0xFFFFF000]  }
0x46: {  	v1 =	vld [tilespmem:s18+$0xFFFFE000];
	_ =	sdelay $0x1  }
0x47: {  	v2 =	vld [tilespmem:s18+$0x0];
	_ =	sdelay $0x1  }
0x48: {  	v3 =	vld [tilespmem:s18+$0x1000]  }
0x49: {  	v0 =	vadd.f32 v0, v1;
	_ =	sdelay $0x1  }
0x4a: {  	v0 =	vadd.f32 v2, v0;
	_ =	sdelay $0x1  }
0x4b: {  	v0 =	vadd.f32 v3, v0  }
0x4c: {  	s19 =	sshra.s32 s21, $0x2  }
0x4d: {  	[tilespmem:s19+$0x4080] =	vst v0  }
0x4e: {  	v0 =	vld [tilespmem:s18+$0xFFFFE010]  }
0x4f: {  	v1 =	vld [tilespmem:s18+$0xFFFFF010];
	_ =	sdelay $0x1  }
0x50: {  	v2 =	vld [tilespmem:s18+$0x10];
	_ =	sdelay $0x1  }
0x51: {  	v3 =	vld [tilespmem:s18+$0x1010]  }
0x52: {  	v0 =	vadd.f32 v1, v0;
	_ =	sdelay $0x1  }
0x53: {  	v0 =	vadd.f32 v2, v0;
	_ =	sdelay $0x1  }
0x54: {  	v0 =	vadd.f32 v3, v0;
	_ =	sdelay $0x1  }
0x55: {  	[tilespmem:s19+$0x4090] =	vst v0  }
0x56: {  	v0 =	vld [tilespmem:s18+$0xFFFFE020]  }
0x57: {  	v1 =	vld [tilespmem:s18+$0xFFFFF020];
	_ =	sdelay $0x1  }
0x58: {  	v2 =	vld [tilespmem:s18+$0x20];
	_ =	sdelay $0x1  }
0x59: {  	v3 =	vld [tilespmem:s18+$0x1020]  }
0x5a: {  	v0 =	vadd.f32 v1, v0;
	_ =	sdelay $0x1  }
0x5b: {  	v0 =	vadd.f32 v2, v0;
	_ =	sdelay $0x1  }
0x5c: {  	v0 =	vadd.f32 v3, v0;
	_ =	sdelay $0x1  }
0x5d: {  	[tilespmem:s19+$0x40A0] =	vst v0  }
0x5e: {  	v2 =	vld [tilespmem:s18+$0xFFFFE030]  }
0x5f: {  	v3 =	vld [tilespmem:s18+$0xFFFFF030]  }
.Ltmp0:
0x60: {  	v1 =	vld [tilespmem:s18+$0x30];
	(pc) =	sbr.rel @p0 .LBB2_2-.Ltmp0, $2  }
0x61: {  	v0 =	vld [tilespmem:s18+$0x1030];
	_ =	sdelay $0x2  }
0x62: {  	v2 =	vadd.f32 v3, v2  }
0x63: {  	_ = 	snop  }
0x64: {  	v1 =	vadd.f32 v1, v2;
	_ =	sdelay $0x1  }
0x65: {  	s17 =	sadd.s32 $0x1, s17;
	v0 =	vadd.f32 v0, v1  }
0x66: {  	p0 =	sne.s32 s17, s9  }
.Ltmp1:
0x67: {  	[tilespmem:s19+$0x40B0] =	vst v0;
	(pc) =	sbr.rel @p0 .LBB2_1-.Ltmp1, $4  }
0x68: {  	[hbm4b:s8+s3] =	stream.linear.scatter [tilespmem:s16], [sflag:$0x2], $0x800, $0x38;
	[tilespmem:$0x4880] =	vst v63  }
0x69: {  	_ =	swait.ge [sflag:s10], $0x800  }
0x6a: {  	[sflag:s10] =	ssyncset.done $0x0  }
0x6b: {  	[sflag:s10] =	ssyncadd.s32 $0xFFFFF800  }
0x6c: {  	_ =	sfence.sel $0x180000  }
0x6d: {  	[bflag:$0x0] =	sbarrier.arrive $0xFFFF  }
0x6e: {  	p0 =	sne.s32 s1, $0x0;
	_ =	strace $0x90000047  }
0x6f: {  	s0 =	sadd.s32 @!p0 $0x100000, s0;
	[bflag:$0x2] =	sbarrier.arrive $0xFFFF  }
0x70: {  	[sflag:s0] =	ssyncadd.tile.s32 @!p0 $0x1;
	_ =	shalt  }
.Lfunc_end2:
_tile_overlayer_lowered:
.L_overlay_start_2:
0x71: {  	(tag) =	ssettag $0x2  }
0x72: {  	s0 =	rddreg [dreg:$0x0];
	s2 =	stileid.u32  }
0x73: {  	s1 =	rddreg [dreg:$0x1];
	p0 =	sne.s32 s2, $0x0  }
0x74: {  	s3 =	rddreg [dreg:$0x2];
	[bflag:$0x3] =	sbarrier.arrive $0xFFFF;
	s2 =	simm.s32 @!p0 $0x1C02  }
0x75: {  	[timem:s3], [sflag:s2] =	dma.local @!p0 [hbm:s0], s1  }
0x76: {  	s0 =	simm.s32 @!p0 $0x2  }
0x77: {  	_ =	swait.ge @!p0 [sflag:s0], s1  }
0x78: {  	s1 =	ssub.s32 @!p0 $0x0, s1;
	[sflag:s0] =	ssyncset.done @!p0 $0x0  }
0x79: {  	[sflag:s0] =	ssyncadd.s32 @!p0 s1  }
0x7a: {  	[bflag:$0x3] =	sbarrier.arrive $0xFFFF  }
0x7b: {  	_ =	shalt  }

</sc_bundles>
